<compile_context>
chip_gen: v7x
topology: tpu7x:2x2x1
jax: 0.10.2.dev20260603
libtpu: 0.0.44.dev20260713+nightly
codegen_flags: <defaults>
</compile_context>

<pallas_src>
import functools

import jax
import jax.numpy as jnp
from jax import lax
from jax.experimental import pallas as pl
from jax.experimental.pallas import tpu as pltpu
from jax.experimental.pallas import tpu_sc as plsc




def _prep_body(x_ref, wo_ref, ws_ref, so_ref, ss_ref):
    xb = x_ref[...]
    so_ref[...] = jnp.dot(xb, wo_ref[...], preferred_element_type=jnp.float32)
    ss_ref[...] = jnp.dot(xb, ws_ref[...], preferred_element_type=jnp.float32)


def _passA_body(oadj_ref, sadj_ref, so_ref, ss_ref, bo1_ref, bs1_ref,
                wo2_ref, ws2_ref, to_ref, ts_ref):
    h_o = jnp.dot(oadj_ref[...], so_ref[...], preferred_element_type=jnp.float32)
    h_o = jnp.maximum(h_o + bo1_ref[...], 0.0)
    to_ref[...] = jnp.dot(h_o, wo2_ref[...], preferred_element_type=jnp.float32)
    h_s = jnp.dot(sadj_ref[...], ss_ref[...], preferred_element_type=jnp.float32)
    h_s = jnp.maximum(h_s + bs1_ref[...], 0.0)
    ts_ref[...] = jnp.dot(h_s, ws2_ref[...], preferred_element_type=jnp.float32)


def _passB_body(oadj_ref, sadj_ref, to_ref, ts_ref, bo2_ref, bs2_ref,
                ag1_ref, ag2_ref, wa_ref, wb_ref, c_ref, pq_ref):
    u = jnp.dot(oadj_ref[...], to_ref[...], preferred_element_type=jnp.float32)
    u = u + bo2_ref[...]
    v = jnp.dot(sadj_ref[...], ts_ref[...], preferred_element_type=jnp.float32)
    v = v + bs2_ref[...]
    a_o = jnp.sum(u * ag1_ref[...], axis=1, keepdims=True)
    a_s = jnp.sum(v * ag2_ref[...], axis=1, keepdims=True)
    p = a_o * jnp.sum(u * wa_ref[...], axis=1, keepdims=True) \
        + a_s * jnp.sum(v * wa_ref[...], axis=1, keepdims=True) + c_ref[...]
    q = a_o * jnp.sum(u * wb_ref[...], axis=1, keepdims=True) \
        + a_s * jnp.sum(v * wb_ref[...], axis=1, keepdims=True)
    bm = p.shape[0]
    pq_ref[...] = jnp.concatenate(
        [p, q, jnp.zeros((bm, 6), jnp.float32)], axis=1)




def _edge_gather(p, q, idx0, idx1, n_workers, nc):
    (e_total,) = idx0.shape
    n_nodes = p.shape[0]
    ew = e_total // n_workers
    steps = (ew + 15) // 16
    pad = steps * 16

    mesh = plsc.VectorSubcoreMesh(core_axis_name="c", subcore_axis_name="s")

    @functools.partial(
        pl.kernel,
        mesh=mesh,
        compiler_params=pltpu.CompilerParams(needs_layout_passes=False),
        out_type=jax.ShapeDtypeStruct((e_total,), jnp.float32),
        scratch_types=[
            pltpu.VMEM((n_nodes,), jnp.float32),
            pltpu.VMEM((n_nodes,), jnp.float32),
            pltpu.VMEM((pad,), jnp.int32),
            pltpu.VMEM((pad,), jnp.int32),
            pltpu.VMEM((pad,), jnp.float32),
        ],
    )
    def k(p_hbm, q_hbm, i0_hbm, i1_hbm, out_hbm, p_v, q_v, i0_v, i1_v, out_v):
        wid = lax.axis_index("s") * nc + lax.axis_index("c")
        base = wid * ew
        pltpu.sync_copy(p_hbm, p_v)
        pltpu.sync_copy(q_hbm, q_v)
        if pad > ew:
            zeros16 = jnp.zeros((16,), jnp.int32)
            i0_v[pl.ds(pad - 16, 16)] = zeros16
            i1_v[pl.ds(pad - 16, 16)] = zeros16
        pltpu.sync_copy(i0_hbm.at[pl.ds(base, ew)], i0_v.at[pl.ds(0, ew)])
        pltpu.sync_copy(i1_hbm.at[pl.ds(base, ew)], i1_v.at[pl.ds(0, ew)])

        def body(k_it, _):
            off = k_it * 16
            g0 = plsc.load_gather(p_v, [i0_v[pl.ds(off, 16)]])
            g1 = plsc.load_gather(q_v, [i1_v[pl.ds(off, 16)]])
            out_v[pl.ds(off, 16)] = g0 + g1
            return _

        lax.fori_loop(0, steps, body, None)
        pltpu.sync_copy(out_v.at[pl.ds(0, ew)], out_hbm.at[pl.ds(base, ew)])

    return k(p, q, idx0, idx1)




def kernel(x, o_adj, s_adj, idx, Wo1, bo1, Wo2, bo2, Ws1, bs1, Ws2, bs2,
           ag1, ag2, Wd1, bd1, Wd2, bd2):
    n, nfeat = x.shape
    h1 = Wo1.shape[1]
    h2 = Wo2.shape[1]
    e_total = idx.shape[1]

    w = Wd1 @ Wd2
    wa = w[:h2, 0][None, :]
    wb = w[h2:, 0][None, :]
    c = (bd1 @ Wd2 + bd2).reshape(1, 1)

    bmp = 2000
    s_o, s_s = pl.pallas_call(
        _prep_body,
        grid=(pl.cdiv(n, bmp),),
        in_specs=[
            pl.BlockSpec((bmp, nfeat), lambda i: (i, 0)),
            pl.BlockSpec((nfeat, h1), lambda i: (0, 0)),
            pl.BlockSpec((nfeat, h1), lambda i: (0, 0)),
        ],
        out_specs=[
            pl.BlockSpec((bmp, h1), lambda i: (i, 0)),
            pl.BlockSpec((bmp, h1), lambda i: (i, 0)),
        ],
        out_shape=[
            jax.ShapeDtypeStruct((n, h1), jnp.float32),
            jax.ShapeDtypeStruct((n, h1), jnp.float32),
        ],
    )(x, Wo1, Ws1)

    bm = 128
    grid = (pl.cdiv(n, bm),)
    adj_spec = pl.BlockSpec((bm, n), lambda i: (i, 0))
    full = lambda r, c_: pl.BlockSpec((r, c_), lambda i: (0, 0))

    t_o, t_s = pl.pallas_call(
        _passA_body,
        grid=grid,
        in_specs=[
            adj_spec, adj_spec,
            full(n, h1), full(n, h1),
            full(1, h1), full(1, h1),
            full(h1, h2), full(h1, h2),
        ],
        out_specs=[
            pl.BlockSpec((bm, h2), lambda i: (i, 0)),
            pl.BlockSpec((bm, h2), lambda i: (i, 0)),
        ],
        out_shape=[
            jax.ShapeDtypeStruct((n, h2), jnp.float32),
            jax.ShapeDtypeStruct((n, h2), jnp.float32),
        ],
    )(o_adj, s_adj, s_o, s_s, bo1[None, :], bs1[None, :], Wo2, Ws2)

    pq = pl.pallas_call(
        _passB_body,
        grid=grid,
        in_specs=[
            adj_spec, adj_spec,
            full(n, h2), full(n, h2),
            full(1, h2), full(1, h2),
            full(1, h2), full(1, h2),
            full(1, h2), full(1, h2),
            full(1, 1),
        ],
        out_specs=pl.BlockSpec((bm, 8), lambda i: (i, 0)),
        out_shape=jax.ShapeDtypeStruct((n, 8), jnp.float32),
    )(o_adj, s_adj, t_o, t_s, bo2[None, :], bs2[None, :],
      ag1[None, :], ag2[None, :], wa, wb, c)

    p = pq[:, 0]
    q = pq[:, 1]

    info = plsc.get_sparse_core_info()
    nc, ns = info.num_cores, info.num_subcores
    out = _edge_gather(p, q, idx[0], idx[1], nc * ns, nc)
    return out[:, None]

# --- scband reference (transcript-rebuilt; emitter-appended) ---
"""Pipeline reference for scband-igcn-link-pred-node-51264729645497 (READ-ONLY COPY).

The authoritative reference and input builder live on the scoring server;
editing this copy changes nothing except your own understanding.
"""

import jax, jax.numpy as jnp
import numpy as np

N = 10000
NFEAT = 128
H1 = 64
H2 = 32
HD = 64
E = 160000


def setup_inputs(seed: int = 0) -> dict:
    key = jax.random.key(seed)
    ks = jax.random.split(key, 24)
    inp = {}
    inp["x"] = jax.random.normal(ks[0], (N, NFEAT), dtype=jnp.float32)
    inp["o_adj"] = jax.random.uniform(ks[1], (N, N), dtype=jnp.float32)
    inp["s_adj"] = jax.random.uniform(ks[2], (N, N), dtype=jnp.float32)
    inp["idx"] = jax.random.randint(ks[3], (2, E), 0, N, dtype=jnp.int32)
    # GraphConvolution weights (in, out) and biases
    inp["Wo1"] = jax.random.uniform(ks[4], (NFEAT, H1), dtype=jnp.float32, minval=-1.0, maxval=1.0) / np.sqrt(NFEAT)
    inp["bo1"] = jax.random.uniform(ks[5], (H1,), dtype=jnp.float32, minval=-1.0, maxval=1.0) / np.sqrt(NFEAT)
    inp["Wo2"] = jax.random.uniform(ks[6], (H1, H2), dtype=jnp.float32, minval=-1.0, maxval=1.0) / np.sqrt(H1)
    inp["bo2"] = jax.random.uniform(ks[7], (H2,), dtype=jnp.float32, minval=-1.0, maxval=1.0) / np.sqrt(H1)
    inp["Ws1"] = jax.random.uniform(ks[8], (NFEAT, H1), dtype=jnp.float32, minval=-1.0, maxval=1.0) / np.sqrt(NFEAT)
    inp["bs1"] = jax.random.uniform(ks[9], (H1,), dtype=jnp.float32, minval=-1.0, maxval=1.0) / np.sqrt(NFEAT)
    inp["Ws2"] = jax.random.uniform(ks[10], (H1, H2), dtype=jnp.float32, minval=-1.0, maxval=1.0) / np.sqrt(H1)
    inp["bs2"] = jax.random.uniform(ks[11], (H2,), dtype=jnp.float32, minval=-1.0, maxval=1.0) / np.sqrt(H1)
    # attention gates
    inp["ag1"] = jax.random.uniform(ks[12], (H2,), dtype=jnp.float32, minval=-1.0, maxval=1.0) / np.sqrt(H2)
    inp["ag2"] = jax.random.uniform(ks[13], (H2,), dtype=jnp.float32, minval=-1.0, maxval=1.0) / np.sqrt(H2)
    # decoder linears stored as (in, out)
    inp["Wd1"] = jax.random.uniform(ks[14], (2 * H2, HD), dtype=jnp.float32, minval=-1.0, maxval=1.0) / np.sqrt(2 * H2)
    inp["bd1"] = jax.random.uniform(ks[15], (HD,), dtype=jnp.float32, minval=-1.0, maxval=1.0) / np.sqrt(2 * H2)
    inp["Wd2"] = jax.random.uniform(ks[16], (HD, 1), dtype=jnp.float32, minval=-1.0, maxval=1.0) / np.sqrt(HD)
    inp["bd2"] = jax.random.uniform(ks[17], (1,), dtype=jnp.float32, minval=-1.0, maxval=1.0) / np.sqrt(HD)
    return inp


def reference(x, o_adj, s_adj, idx, Wo1, bo1, Wo2, bo2, Ws1, bs1, Ws2, bs2, ag1, ag2, Wd1, bd1, Wd2, bd2):
    def gc(h, adj, W, b):
        # GraphConvolution: support = h @ W ; out = adj @ support + b
        return adj @ (h @ W) + b

    # dropout is identity in eval mode (training=False)
    x_1 = jax.nn.relu(gc(x, o_adj, Wo1, bo1))
    x_1 = gc(x_1, o_adj, Wo2, bo2)
    x_2 = jax.nn.relu(gc(x, s_adj, Ws1, bs1))
    x_2 = gc(x_2, s_adj, Ws2, bs2)
    g = (x_1 @ ag1)[:, None] * x_1 + (x_2 @ ag2)[:, None] * x_2
    feat_p1 = jnp.take(g, idx[0], axis=0)
    feat_p2 = jnp.take(g, idx[1], axis=0)
    feat = jnp.concatenate((feat_p1, feat_p2), axis=1)
    o = feat @ Wd1 + bd1
    o = o @ Wd2 + bd2
    return o

if __name__ == "__main__":
    import jax
    _d = setup_inputs()
    print(jax.jit(kernel)(*tuple(_d.values())))

</pallas_src>

<mosaic_0001>
#map = affine_map<(d0, d1) -> (0)>
module attributes {stable_mosaic.version = 14 : i64} {
  func.func @k(%arg0: i32, %arg1: i32, %arg2: memref<10000xf32, #tpu.memory_space<hbm>>, %arg3: memref<10000xf32, #tpu.memory_space<hbm>>, %arg4: memref<160000xi32, #tpu.memory_space<hbm>>, %arg5: memref<160000xi32, #tpu.memory_space<hbm>>, %arg6: memref<160000xf32, #tpu.memory_space<hbm>>, %arg7: memref<10000xf32, #tpu.memory_space<vmem>>, %arg8: memref<10000xf32, #tpu.memory_space<vmem>>, %arg9: memref<5008xi32, #tpu.memory_space<vmem>>, %arg10: memref<5008xi32, #tpu.memory_space<vmem>>, %arg11: memref<5008xf32, #tpu.memory_space<vmem>>) attributes {dimension_semantics = [#tpu.dimension_semantics<core_parallel>, #tpu.dimension_semantics<subcore_parallel>], iteration_bounds = array<i64: 2, 16>, scalar_prefetch = 0 : i64, scratch_operands = 5 : i64, tpu.core_type = #tpu.core_type<sc_vector_subcore>, window_params = [{transform_indices = #map}, {transform_indices = #map}, {transform_indices = #map}, {transform_indices = #map}, {transform_indices = #map}]} {
    %mul3A = arith.constant 2 : i32
    %mul3A_0 = arith.muli %arg1, %mul3A : i32
    %add3A = arith.addi %mul3A_0, %arg0 : i32
    %mul3A_1 = arith.constant 5000 : i32
    %mul3A_2 = arith.muli %add3A, %mul3A_1 : i32
    "tpu.region"() ({
      %run_scoped3A = tpu.sem_alloc : memref<!tpu.dma_semaphore, #tpu.memory_space<semaphore_mem>>
      tpu.enqueue_dma source(%arg2 : memref<10000xf32, #tpu.memory_space<hbm>>) target(%arg7 : memref<10000xf32, #tpu.memory_space<vmem>>) target_semaphore(%run_scoped3A : memref<!tpu.dma_semaphore, #tpu.memory_space<semaphore_mem>>)
      tpu.wait_dma2 semaphore(%run_scoped3A : memref<!tpu.dma_semaphore, #tpu.memory_space<semaphore_mem>>) src(%arg2 : memref<10000xf32, #tpu.memory_space<hbm>>) dst(%arg7 : memref<10000xf32, #tpu.memory_space<vmem>>)
      tpu.yield
    }) : () -> ()
    "tpu.region"() ({
      %run_scoped3A = tpu.sem_alloc : memref<!tpu.dma_semaphore, #tpu.memory_space<semaphore_mem>>
      tpu.enqueue_dma source(%arg3 : memref<10000xf32, #tpu.memory_space<hbm>>) target(%arg8 : memref<10000xf32, #tpu.memory_space<vmem>>) target_semaphore(%run_scoped3A : memref<!tpu.dma_semaphore, #tpu.memory_space<semaphore_mem>>)
      tpu.wait_dma2 semaphore(%run_scoped3A : memref<!tpu.dma_semaphore, #tpu.memory_space<semaphore_mem>>) src(%arg3 : memref<10000xf32, #tpu.memory_space<hbm>>) dst(%arg8 : memref<10000xf32, #tpu.memory_space<vmem>>)
      tpu.yield
    }) : () -> ()
    %broadcast_in_dim3A = arith.constant 0 : i32
    %broadcast_in_dim3A_3 = vector.broadcast %broadcast_in_dim3A : i32 to vector<16xi32>
    %swap3A = arith.constant 4992 : index
    %swap3A_4 = tpu.vector_load %arg9[%swap3A] {strides = array<i32>} : memref<5008xi32, #tpu.memory_space<vmem>>, vector<16xi32>,
    tpu.vector_store %arg9[%swap3A], %broadcast_in_dim3A_3 {strides = array<i32>} : memref<5008xi32, #tpu.memory_space<vmem>>, vector<16xi32>,
    %swap3A_5 = arith.constant 4992 : index
    %swap3A_6 = tpu.vector_load %arg10[%swap3A_5] {strides = array<i32>} : memref<5008xi32, #tpu.memory_space<vmem>>, vector<16xi32>,
    tpu.vector_store %arg10[%swap3A_5], %broadcast_in_dim3A_3 {strides = array<i32>} : memref<5008xi32, #tpu.memory_space<vmem>>, vector<16xi32>,
    "tpu.region"() ({
      %run_scoped3A = tpu.sem_alloc : memref<!tpu.dma_semaphore, #tpu.memory_space<semaphore_mem>>
      %dma_start3A = arith.constant 0 : i32
      %dma_start3A_11 = tpu.memref_slice %arg9[%dma_start3A] : memref<5008xi32, #tpu.memory_space<vmem>> -> memref<5000xi32, #tpu.memory_space<vmem>>
      %dma_start3A_12 = tpu.memref_slice %arg4[%mul3A_2] : memref<160000xi32, #tpu.memory_space<hbm>> -> memref<5000xi32, #tpu.memory_space<hbm>>
      %dma_start3A_13 = arith.constant 0 : i32
      %dma_start3A_14 = tpu.memref_slice %arg9[%dma_start3A_13] : memref<5008xi32, #tpu.memory_space<vmem>> -> memref<5000xi32, #tpu.memory_space<vmem>>
      %dma_start3A_15 = tpu.memref_slice %arg4[%mul3A_2] : memref<160000xi32, #tpu.memory_space<hbm>> -> memref<5000xi32, #tpu.memory_space<hbm>>
      tpu.enqueue_dma source(%dma_start3A_15 : memref<5000xi32, #tpu.memory_space<hbm>>) target(%dma_start3A_14 : memref<5000xi32, #tpu.memory_space<vmem>>) target_semaphore(%run_scoped3A : memref<!tpu.dma_semaphore, #tpu.memory_space<semaphore_mem>>)
      %dma_wait3A = arith.constant 0 : i32
      %dma_wait3A_16 = tpu.memref_slice %arg9[%dma_wait3A] : memref<5008xi32, #tpu.memory_space<vmem>> -> memref<5000xi32, #tpu.memory_space<vmem>>
      %dma_wait3A_17 = tpu.memref_slice %arg4[%mul3A_2] : memref<160000xi32, #tpu.memory_space<hbm>> -> memref<5000xi32, #tpu.memory_space<hbm>>
      %dma_wait3A_18 = arith.constant 0 : i32
      %dma_wait3A_19 = tpu.memref_slice %arg9[%dma_wait3A_18] : memref<5008xi32, #tpu.memory_space<vmem>> -> memref<5000xi32, #tpu.memory_space<vmem>>
      %dma_wait3A_20 = tpu.memref_slice %arg4[%mul3A_2] : memref<160000xi32, #tpu.memory_space<hbm>> -> memref<5000xi32, #tpu.memory_space<hbm>>
      tpu.wait_dma2 semaphore(%run_scoped3A : memref<!tpu.dma_semaphore, #tpu.memory_space<semaphore_mem>>) src(%dma_wait3A_20 : memref<5000xi32, #tpu.memory_space<hbm>>) dst(%dma_wait3A_19 : memref<5000xi32, #tpu.memory_space<vmem>>)
      tpu.yield
    }) : () -> ()
    "tpu.region"() ({
      %run_scoped3A = tpu.sem_alloc : memref<!tpu.dma_semaphore, #tpu.memory_space<semaphore_mem>>
      %dma_start3A = arith.constant 0 : i32
      %dma_start3A_11 = tpu.memref_slice %arg10[%dma_start3A] : memref<5008xi32, #tpu.memory_space<vmem>> -> memref<5000xi32, #tpu.memory_space<vmem>>
      %dma_start3A_12 = tpu.memref_slice %arg5[%mul3A_2] : memref<160000xi32, #tpu.memory_space<hbm>> -> memref<5000xi32, #tpu.memory_space<hbm>>
      %dma_start3A_13 = arith.constant 0 : i32
      %dma_start3A_14 = tpu.memref_slice %arg10[%dma_start3A_13] : memref<5008xi32, #tpu.memory_space<vmem>> -> memref<5000xi32, #tpu.memory_space<vmem>>
      %dma_start3A_15 = tpu.memref_slice %arg5[%mul3A_2] : memref<160000xi32, #tpu.memory_space<hbm>> -> memref<5000xi32, #tpu.memory_space<hbm>>
      tpu.enqueue_dma source(%dma_start3A_15 : memref<5000xi32, #tpu.memory_space<hbm>>) target(%dma_start3A_14 : memref<5000xi32, #tpu.memory_space<vmem>>) target_semaphore(%run_scoped3A : memref<!tpu.dma_semaphore, #tpu.memory_space<semaphore_mem>>)
      %dma_wait3A = arith.constant 0 : i32
      %dma_wait3A_16 = tpu.memref_slice %arg10[%dma_wait3A] : memref<5008xi32, #tpu.memory_space<vmem>> -> memref<5000xi32, #tpu.memory_space<vmem>>
      %dma_wait3A_17 = tpu.memref_slice %arg5[%mul3A_2] : memref<160000xi32, #tpu.memory_space<hbm>> -> memref<5000xi32, #tpu.memory_space<hbm>>
      %dma_wait3A_18 = arith.constant 0 : i32
      %dma_wait3A_19 = tpu.memref_slice %arg10[%dma_wait3A_18] : memref<5008xi32, #tpu.memory_space<vmem>> -> memref<5000xi32, #tpu.memory_space<vmem>>
      %dma_wait3A_20 = tpu.memref_slice %arg5[%mul3A_2] : memref<160000xi32, #tpu.memory_space<hbm>> -> memref<5000xi32, #tpu.memory_space<hbm>>
      tpu.wait_dma2 semaphore(%run_scoped3A : memref<!tpu.dma_semaphore, #tpu.memory_space<semaphore_mem>>) src(%dma_wait3A_20 : memref<5000xi32, #tpu.memory_space<hbm>>) dst(%dma_wait3A_19 : memref<5000xi32, #tpu.memory_space<vmem>>)
      tpu.yield
    }) : () -> ()
    %scan3A = arith.constant 0 : i32
    %scan3A_7 = arith.constant 313 : i32
    %scan3A_8 = arith.addi %scan3A, %scan3A_7 : i32
    %scan3A_9 = arith.constant 1 : i32
    scf.for %scan3A_11 = %scan3A to %scan3A_8 step %scan3A_9  : i32 {
      %mul3A_12 = arith.constant 16 : i32
      %mul3A_13 = arith.muli %scan3A_11, %mul3A_12 : i32
      %get3A = arith.index_cast %mul3A_13 : i32 to index
      %get3A_14 = tpu.vector_load %arg9[%get3A] {strides = array<i32>} : memref<5008xi32, #tpu.memory_space<vmem>>, vector<16xi32>,
      %gather3A = tpu.vector_load_idx %arg7[%get3A_14] : memref<10000xf32, #tpu.memory_space<vmem>>[vector<16xi32>], vector<16xf32>,
      %get3A_15 = arith.index_cast %mul3A_13 : i32 to index
      %get3A_16 = tpu.vector_load %arg10[%get3A_15] {strides = array<i32>} : memref<5008xi32, #tpu.memory_space<vmem>>, vector<16xi32>,
      %gather3A_17 = tpu.vector_load_idx %arg8[%get3A_16] : memref<10000xf32, #tpu.memory_space<vmem>>[vector<16xi32>], vector<16xf32>,
      %add3A_18 = arith.addf %gather3A, %gather3A_17 : vector<16xf32>
      %swap3A_19 = arith.index_cast %mul3A_13 : i32 to index
      %swap3A_20 = tpu.vector_load %arg11[%swap3A_19] {strides = array<i32>} : memref<5008xf32, #tpu.memory_space<vmem>>, vector<16xf32>,
      tpu.vector_store %arg11[%swap3A_19], %add3A_18 {strides = array<i32>} : memref<5008xf32, #tpu.memory_space<vmem>>, vector<16xf32>,
    }
    %scan3A_10 = arith.constant 313 : i32
    "tpu.region"() ({
      %run_scoped3A = tpu.sem_alloc : memref<!tpu.dma_semaphore, #tpu.memory_space<semaphore_mem>>
      %dma_start3A = arith.constant 0 : i32
      %dma_start3A_11 = tpu.memref_slice %arg11[%dma_start3A] : memref<5008xf32, #tpu.memory_space<vmem>> -> memref<5000xf32, #tpu.memory_space<vmem>>
      %dma_start3A_12 = tpu.memref_slice %arg6[%mul3A_2] : memref<160000xf32, #tpu.memory_space<hbm>> -> memref<5000xf32, #tpu.memory_space<hbm>>
      %dma_start3A_13 = tpu.memref_slice %arg6[%mul3A_2] : memref<160000xf32, #tpu.memory_space<hbm>> -> memref<5000xf32, #tpu.memory_space<hbm>>
      %dma_start3A_14 = arith.constant 0 : i32
      %dma_start3A_15 = tpu.memref_slice %arg11[%dma_start3A_14] : memref<5008xf32, #tpu.memory_space<vmem>> -> memref<5000xf32, #tpu.memory_space<vmem>>
      tpu.enqueue_dma source(%dma_start3A_15 : memref<5000xf32, #tpu.memory_space<vmem>>) target(%dma_start3A_13 : memref<5000xf32, #tpu.memory_space<hbm>>) target_semaphore(%run_scoped3A : memref<!tpu.dma_semaphore, #tpu.memory_space<semaphore_mem>>)
      %dma_wait3A = arith.constant 0 : i32
      %dma_wait3A_16 = tpu.memref_slice %arg11[%dma_wait3A] : memref<5008xf32, #tpu.memory_space<vmem>> -> memref<5000xf32, #tpu.memory_space<vmem>>
      %dma_wait3A_17 = tpu.memref_slice %arg6[%mul3A_2] : memref<160000xf32, #tpu.memory_space<hbm>> -> memref<5000xf32, #tpu.memory_space<hbm>>
      %dma_wait3A_18 = tpu.memref_slice %arg6[%mul3A_2] : memref<160000xf32, #tpu.memory_space<hbm>> -> memref<5000xf32, #tpu.memory_space<hbm>>
      %dma_wait3A_19 = arith.constant 0 : i32
      %dma_wait3A_20 = tpu.memref_slice %arg11[%dma_wait3A_19] : memref<5008xf32, #tpu.memory_space<vmem>> -> memref<5000xf32, #tpu.memory_space<vmem>>
      tpu.wait_dma2 semaphore(%run_scoped3A : memref<!tpu.dma_semaphore, #tpu.memory_space<semaphore_mem>>) src(%dma_wait3A_20 : memref<5000xf32, #tpu.memory_space<vmem>>) dst(%dma_wait3A_18 : memref<5000xf32, #tpu.memory_space<hbm>>)
      tpu.yield
    }) : () -> ()
    return
  }
}

module attributes {stable_mosaic.version = 14 : i64} {
  func.func @_prep_body(%arg0: i32, %arg1: memref<2000x128xf32, #tpu.memory_space<vmem>>, %arg2: memref<128x64xf32, #tpu.memory_space<vmem>>, %arg3: memref<128x64xf32, #tpu.memory_space<vmem>>, %arg4: memref<2000x64xf32, #tpu.memory_space<vmem>>, %arg5: memref<2000x64xf32, #tpu.memory_space<vmem>>) attributes {dimension_semantics = [#tpu.dimension_semantics<arbitrary>], iteration_bounds = array<i64: 5>, scalar_prefetch = 0 : i64, scratch_operands = 0 : i64, tpu.core_type = #tpu.core_type<tc>, window_params = [{transform_indices = @transform_0, window_bounds = array<i64: 2000, 128>}, {pipeline_mode = #tpu.pipeline_mode<synchronous>, transform_indices = @transform_1, window_bounds = array<i64: 128, 64>}, {pipeline_mode = #tpu.pipeline_mode<synchronous>, transform_indices = @transform_2, window_bounds = array<i64: 128, 64>}, {transform_indices = @transform_3, window_bounds = array<i64: 2000, 64>}, {transform_indices = @transform_4, window_bounds = array<i64: 2000, 64>}]} {
    %get3A = arith.constant 0 : index
    %get3A_0 = arith.constant 0 : index
    %get3A_1 = vector.load %arg1[%get3A, %get3A_0] : memref<2000x128xf32, #tpu.memory_space<vmem>>, vector<2000x128xf32>
    %get3A_2 = arith.constant 0 : index
    %get3A_3 = arith.constant 0 : index
    %get3A_4 = vector.load %arg2[%get3A_2, %get3A_3] : memref<128x64xf32, #tpu.memory_space<vmem>>, vector<128x64xf32>
    %dot_general3A = arith.constant dense<0.000000e+00> : vector<2000x64xf32>
    %dot_general3A_5 = tpu.matmul %get3A_1, %get3A_4, %dot_general3A {dimension_numbers = #tpu.dot_dimension_numbers<[1], [0], [0], [1], [0, 0, 1, 1], [], []>, transpose_lhs_hint = false} : vector<2000x128xf32>, vector<128x64xf32>, vector<2000x64xf32> -> vector<2000x64xf32>
    %swap3A = arith.constant 0 : index
    %swap3A_6 = arith.constant 0 : index
    %swap3A_7 = vector.load %arg4[%swap3A, %swap3A_6] : memref<2000x64xf32, #tpu.memory_space<vmem>>, vector<2000x64xf32>
    tpu.vector_store %arg4[%swap3A, %swap3A_6], %dot_general3A_5 {strides = array<i32>} : memref<2000x64xf32, #tpu.memory_space<vmem>>, vector<2000x64xf32>,
    %get3A_8 = arith.constant 0 : index
    %get3A_9 = arith.constant 0 : index
    %get3A_10 = vector.load %arg3[%get3A_8, %get3A_9] : memref<128x64xf32, #tpu.memory_space<vmem>>, vector<128x64xf32>
    %dot_general3A_11 = arith.constant dense<0.000000e+00> : vector<2000x64xf32>
    %dot_general3A_12 = tpu.matmul %get3A_1, %get3A_10, %dot_general3A_11 {dimension_numbers = #tpu.dot_dimension_numbers<[1], [0], [0], [1], [0, 0, 1, 1], [], []>, transpose_lhs_hint = false} : vector<2000x128xf32>, vector<128x64xf32>, vector<2000x64xf32> -> vector<2000x64xf32>
    %swap3A_13 = arith.constant 0 : index
    %swap3A_14 = arith.constant 0 : index
    %swap3A_15 = vector.load %arg5[%swap3A_13, %swap3A_14] : memref<2000x64xf32, #tpu.memory_space<vmem>>, vector<2000x64xf32>
    tpu.vector_store %arg5[%swap3A_13, %swap3A_14], %dot_general3A_12 {strides = array<i32>} : memref<2000x64xf32, #tpu.memory_space<vmem>>, vector<2000x64xf32>,
    return
  }
  func.func @transform_0(%arg0: i32) -> (i32, i32) {
    %c0_i32 = arith.constant 0 : i32
    %c0_i32_0 = arith.constant 0 : i32
    return %arg0, %c0_i32 : i32, i32
  }
  func.func @transform_1(%arg0: i32) -> (i32, i32) {
    %c0_i32 = arith.constant 0 : i32
    %c0_i32_0 = arith.constant 0 : i32
    %c0_i32_1 = arith.constant 0 : i32
    return %c0_i32, %c0_i32_0 : i32, i32
  }
  func.func @transform_2(%arg0: i32) -> (i32, i32) {
    %c0_i32 = arith.constant 0 : i32
    %c0_i32_0 = arith.constant 0 : i32
    %c0_i32_1 = arith.constant 0 : i32
    return %c0_i32, %c0_i32_0 : i32, i32
  }
  func.func @transform_3(%arg0: i32) -> (i32, i32) {
    %c0_i32 = arith.constant 0 : i32
    %c0_i32_0 = arith.constant 0 : i32
    return %arg0, %c0_i32 : i32, i32
  }
  func.func @transform_4(%arg0: i32) -> (i32, i32) {
    %c0_i32 = arith.constant 0 : i32
    %c0_i32_0 = arith.constant 0 : i32
    return %arg0, %c0_i32 : i32, i32
  }
}

module attributes {stable_mosaic.version = 14 : i64} {
  func.func @_passA_body(%arg0: i32, %arg1: memref<128x10000xf32, #tpu.memory_space<vmem>>, %arg2: memref<128x10000xf32, #tpu.memory_space<vmem>>, %arg3: memref<10000x64xf32, #tpu.memory_space<vmem>>, %arg4: memref<10000x64xf32, #tpu.memory_space<vmem>>, %arg5: memref<1x64xf32, #tpu.memory_space<vmem>>, %arg6: memref<1x64xf32, #tpu.memory_space<vmem>>, %arg7: memref<64x32xf32, #tpu.memory_space<vmem>>, %arg8: memref<64x32xf32, #tpu.memory_space<vmem>>, %arg9: memref<128x32xf32, #tpu.memory_space<vmem>>, %arg10: memref<128x32xf32, #tpu.memory_space<vmem>>) attributes {dimension_semantics = [#tpu.dimension_semantics<arbitrary>], iteration_bounds = array<i64: 79>, scalar_prefetch = 0 : i64, scratch_operands = 0 : i64, tpu.core_type = #tpu.core_type<tc>, window_params = [{transform_indices = @transform_0, window_bounds = array<i64: 128, 10000>}, {transform_indices = @transform_1, window_bounds = array<i64: 128, 10000>}, {pipeline_mode = #tpu.pipeline_mode<synchronous>, transform_indices = @transform_2, window_bounds = array<i64: 10000, 64>}, {pipeline_mode = #tpu.pipeline_mode<synchronous>, transform_indices = @transform_3, window_bounds = array<i64: 10000, 64>}, {pipeline_mode = #tpu.pipeline_mode<synchronous>, transform_indices = @transform_4, window_bounds = array<i64: 1, 64>}, {pipeline_mode = #tpu.pipeline_mode<synchronous>, transform_indices = @transform_5, window_bounds = array<i64: 1, 64>}, {pipeline_mode = #tpu.pipeline_mode<synchronous>, transform_indices = @transform_6, window_bounds = array<i64: 64, 32>}, {pipeline_mode = #tpu.pipeline_mode<synchronous>, transform_indices = @transform_7, window_bounds = array<i64: 64, 32>}, {transform_indices = @transform_8, window_bounds = array<i64: 128, 32>}, {transform_indices = @transform_9, window_bounds = array<i64: 128, 32>}]} {
    %get3A = arith.constant 0 : index
    %get3A_0 = arith.constant 0 : index
    %get3A_1 = vector.load %arg1[%get3A, %get3A_0] : memref<128x10000xf32, #tpu.memory_space<vmem>>, vector<128x10000xf32>
    %get3A_2 = arith.constant 0 : index
    %get3A_3 = arith.constant 0 : index
    %get3A_4 = vector.load %arg3[%get3A_2, %get3A_3] : memref<10000x64xf32, #tpu.memory_space<vmem>>, vector<10000x64xf32>
    %dot_general3A = arith.constant dense<0.000000e+00> : vector<128x64xf32>
    %dot_general3A_5 = tpu.matmul %get3A_1, %get3A_4, %dot_general3A {dimension_numbers = #tpu.dot_dimension_numbers<[1], [0], [0], [1], [0, 0, 1, 1], [], []>, transpose_lhs_hint = false} : vector<128x10000xf32>, vector<10000x64xf32>, vector<128x64xf32> -> vector<128x64xf32>
    %get3A_6 = arith.constant 0 : index
    %get3A_7 = arith.constant 0 : index
    %get3A_8 = vector.load %arg5[%get3A_6, %get3A_7] : memref<1x64xf32, #tpu.memory_space<vmem>>, vector<1x64xf32>
    %add3A = vector.broadcast %get3A_8 : vector<1x64xf32> to vector<128x64xf32>
    %add3A_9 = arith.addf %dot_general3A_5, %add3A : vector<128x64xf32>
    %max3A = arith.constant 0.000000e+00 : f32
    %max3A_10 = vector.broadcast %max3A : f32 to vector<128x64xf32>
    %max3A_11 = arith.maximumf %add3A_9, %max3A_10 : vector<128x64xf32>
    %get3A_12 = arith.constant 0 : index
    %get3A_13 = arith.constant 0 : index
    %get3A_14 = vector.load %arg7[%get3A_12, %get3A_13] : memref<64x32xf32, #tpu.memory_space<vmem>>, vector<64x32xf32>
    %dot_general3A_15 = arith.constant dense<0.000000e+00> : vector<128x32xf32>
    %dot_general3A_16 = tpu.matmul %max3A_11, %get3A_14, %dot_general3A_15 {dimension_numbers = #tpu.dot_dimension_numbers<[1], [0], [0], [1], [0, 0, 1, 1], [], []>, transpose_lhs_hint = false} : vector<128x64xf32>, vector<64x32xf32>, vector<128x32xf32> -> vector<128x32xf32>
    %swap3A = arith.constant 0 : index
    %swap3A_17 = arith.constant 0 : index
    %swap3A_18 = vector.load %arg9[%swap3A, %swap3A_17] : memref<128x32xf32, #tpu.memory_space<vmem>>, vector<128x32xf32>
    tpu.vector_store %arg9[%swap3A, %swap3A_17], %dot_general3A_16 {strides = array<i32>} : memref<128x32xf32, #tpu.memory_space<vmem>>, vector<128x32xf32>,
    %get3A_19 = arith.constant 0 : index
    %get3A_20 = arith.constant 0 : index
    %get3A_21 = vector.load %arg2[%get3A_19, %get3A_20] : memref<128x10000xf32, #tpu.memory_space<vmem>>, vector<128x10000xf32>
    %get3A_22 = arith.constant 0 : index
    %get3A_23 = arith.constant 0 : index
    %get3A_24 = vector.load %arg4[%get3A_22, %get3A_23] : memref<10000x64xf32, #tpu.memory_space<vmem>>, vector<10000x64xf32>
    %dot_general3A_25 = arith.constant dense<0.000000e+00> : vector<128x64xf32>
    %dot_general3A_26 = tpu.matmul %get3A_21, %get3A_24, %dot_general3A_25 {dimension_numbers = #tpu.dot_dimension_numbers<[1], [0], [0], [1], [0, 0, 1, 1], [], []>, transpose_lhs_hint = false} : vector<128x10000xf32>, vector<10000x64xf32>, vector<128x64xf32> -> vector<128x64xf32>
    %get3A_27 = arith.constant 0 : index
    %get3A_28 = arith.constant 0 : index
    %get3A_29 = vector.load %arg6[%get3A_27, %get3A_28] : memref<1x64xf32, #tpu.memory_space<vmem>>, vector<1x64xf32>
    %add3A_30 = vector.broadcast %get3A_29 : vector<1x64xf32> to vector<128x64xf32>
    %add3A_31 = arith.addf %dot_general3A_26, %add3A_30 : vector<128x64xf32>
    %max3A_32 = arith.constant 0.000000e+00 : f32
    %max3A_33 = vector.broadcast %max3A_32 : f32 to vector<128x64xf32>
    %max3A_34 = arith.maximumf %add3A_31, %max3A_33 : vector<128x64xf32>
    %get3A_35 = arith.constant 0 : index
    %get3A_36 = arith.constant 0 : index
    %get3A_37 = vector.load %arg8[%get3A_35, %get3A_36] : memref<64x32xf32, #tpu.memory_space<vmem>>, vector<64x32xf32>
    %dot_general3A_38 = arith.constant dense<0.000000e+00> : vector<128x32xf32>
    %dot_general3A_39 = tpu.matmul %max3A_34, %get3A_37, %dot_general3A_38 {dimension_numbers = #tpu.dot_dimension_numbers<[1], [0], [0], [1], [0, 0, 1, 1], [], []>, transpose_lhs_hint = false} : vector<128x64xf32>, vector<64x32xf32>, vector<128x32xf32> -> vector<128x32xf32>
    %swap3A_40 = arith.constant 0 : index
    %swap3A_41 = arith.constant 0 : index
    %swap3A_42 = vector.load %arg10[%swap3A_40, %swap3A_41] : memref<128x32xf32, #tpu.memory_space<vmem>>, vector<128x32xf32>
    tpu.vector_store %arg10[%swap3A_40, %swap3A_41], %dot_general3A_39 {strides = array<i32>} : memref<128x32xf32, #tpu.memory_space<vmem>>, vector<128x32xf32>,
    return
  }
  func.func @transform_0(%arg0: i32) -> (i32, i32) {
    %c0_i32 = arith.constant 0 : i32
    %c0_i32_0 = arith.constant 0 : i32
    return %arg0, %c0_i32 : i32, i32
  }
  func.func @transform_1(%arg0: i32) -> (i32, i32) {
    %c0_i32 = arith.constant 0 : i32
    %c0_i32_0 = arith.constant 0 : i32
    return %arg0, %c0_i32 : i32, i32
  }
  func.func @transform_2(%arg0: i32) -> (i32, i32) {
    %c0_i32 = arith.constant 0 : i32
    %c0_i32_0 = arith.constant 0 : i32
    %c0_i32_1 = arith.constant 0 : i32
    return %c0_i32, %c0_i32_0 : i32, i32
  }
  func.func @transform_3(%arg0: i32) -> (i32, i32) {
    %c0_i32 = arith.constant 0 : i32
    %c0_i32_0 = arith.constant 0 : i32
    %c0_i32_1 = arith.constant 0 : i32
    return %c0_i32, %c0_i32_0 : i32, i32
  }
  func.func @transform_4(%arg0: i32) -> (i32, i32) {
    %c0_i32 = arith.constant 0 : i32
    %c0_i32_0 = arith.constant 0 : i32
    %c0_i32_1 = arith.constant 0 : i32
    return %c0_i32, %c0_i32_0 : i32, i32
  }
  func.func @transform_5(%arg0: i32) -> (i32, i32) {
    %c0_i32 = arith.constant 0 : i32
    %c0_i32_0 = arith.constant 0 : i32
    %c0_i32_1 = arith.constant 0 : i32
    return %c0_i32, %c0_i32_0 : i32, i32
  }
  func.func @transform_6(%arg0: i32) -> (i32, i32) {
    %c0_i32 = arith.constant 0 : i32
    %c0_i32_0 = arith.constant 0 : i32
    %c0_i32_1 = arith.constant 0 : i32
    return %c0_i32, %c0_i32_0 : i32, i32
  }
  func.func @transform_7(%arg0: i32) -> (i32, i32) {
    %c0_i32 = arith.constant 0 : i32
    %c0_i32_0 = arith.constant 0 : i32
    %c0_i32_1 = arith.constant 0 : i32
    return %c0_i32, %c0_i32_0 : i32, i32
  }
  func.func @transform_8(%arg0: i32) -> (i32, i32) {
    %c0_i32 = arith.constant 0 : i32
    %c0_i32_0 = arith.constant 0 : i32
    return %arg0, %c0_i32 : i32, i32
  }
  func.func @transform_9(%arg0: i32) -> (i32, i32) {
    %c0_i32 = arith.constant 0 : i32
    %c0_i32_0 = arith.constant 0 : i32
    return %arg0, %c0_i32 : i32, i32
  }
}

module attributes {stable_mosaic.version = 14 : i64} {
  func.func @_passB_body(%arg0: i32, %arg1: memref<128x10000xf32, #tpu.memory_space<vmem>>, %arg2: memref<128x10000xf32, #tpu.memory_space<vmem>>, %arg3: memref<10000x32xf32, #tpu.memory_space<vmem>>, %arg4: memref<10000x32xf32, #tpu.memory_space<vmem>>, %arg5: memref<1x32xf32, #tpu.memory_space<vmem>>, %arg6: memref<1x32xf32, #tpu.memory_space<vmem>>, %arg7: memref<1x32xf32, #tpu.memory_space<vmem>>, %arg8: memref<1x32xf32, #tpu.memory_space<vmem>>, %arg9: memref<1x32xf32, #tpu.memory_space<vmem>>, %arg10: memref<1x32xf32, #tpu.memory_space<vmem>>, %arg11: memref<1x1xf32, #tpu.memory_space<vmem>>, %arg12: memref<128x8xf32, #tpu.memory_space<vmem>>) attributes {dimension_semantics = [#tpu.dimension_semantics<arbitrary>], iteration_bounds = array<i64: 79>, scalar_prefetch = 0 : i64, scratch_operands = 0 : i64, tpu.core_type = #tpu.core_type<tc>, window_params = [{transform_indices = @transform_0, window_bounds = array<i64: 128, 10000>}, {transform_indices = @transform_1, window_bounds = array<i64: 128, 10000>}, {pipeline_mode = #tpu.pipeline_mode<synchronous>, transform_indices = @transform_2, window_bounds = array<i64: 10000, 32>}, {pipeline_mode = #tpu.pipeline_mode<synchronous>, transform_indices = @transform_3, window_bounds = array<i64: 10000, 32>}, {pipeline_mode = #tpu.pipeline_mode<synchronous>, transform_indices = @transform_4, window_bounds = array<i64: 1, 32>}, {pipeline_mode = #tpu.pipeline_mode<synchronous>, transform_indices = @transform_5, window_bounds = array<i64: 1, 32>}, {pipeline_mode = #tpu.pipeline_mode<synchronous>, transform_indices = @transform_6, window_bounds = array<i64: 1, 32>}, {pipeline_mode = #tpu.pipeline_mode<synchronous>, transform_indices = @transform_7, window_bounds = array<i64: 1, 32>}, {pipeline_mode = #tpu.pipeline_mode<synchronous>, transform_indices = @transform_8, window_bounds = array<i64: 1, 32>}, {pipeline_mode = #tpu.pipeline_mode<synchronous>, transform_indices = @transform_9, window_bounds = array<i64: 1, 32>}, {pipeline_mode = #tpu.pipeline_mode<synchronous>, transform_indices = @transform_10, window_bounds = array<i64: 1, 1>}, {transform_indices = @transform_11, window_bounds = array<i64: 128, 8>}]} {
    %get3A = arith.constant 0 : index
    %get3A_0 = arith.constant 0 : index
    %get3A_1 = vector.load %arg1[%get3A, %get3A_0] : memref<128x10000xf32, #tpu.memory_space<vmem>>, vector<128x10000xf32>
    %get3A_2 = arith.constant 0 : index
    %get3A_3 = arith.constant 0 : index
    %get3A_4 = vector.load %arg3[%get3A_2, %get3A_3] : memref<10000x32xf32, #tpu.memory_space<vmem>>, vector<10000x32xf32>
    %dot_general3A = arith.constant dense<0.000000e+00> : vector<128x32xf32>
    %dot_general3A_5 = tpu.matmul %get3A_1, %get3A_4, %dot_general3A {dimension_numbers = #tpu.dot_dimension_numbers<[1], [0], [0], [1], [0, 0, 1, 1], [], []>, transpose_lhs_hint = false} : vector<128x10000xf32>, vector<10000x32xf32>, vector<128x32xf32> -> vector<128x32xf32>
    %get3A_6 = arith.constant 0 : index
    %get3A_7 = arith.constant 0 : index
    %get3A_8 = vector.load %arg5[%get3A_6, %get3A_7] : memref<1x32xf32, #tpu.memory_space<vmem>>, vector<1x32xf32>
    %add3A = vector.broadcast %get3A_8 : vector<1x32xf32> to vector<128x32xf32>
    %add3A_9 = arith.addf %dot_general3A_5, %add3A : vector<128x32xf32>
    %get3A_10 = arith.constant 0 : index
    %get3A_11 = arith.constant 0 : index
    %get3A_12 = vector.load %arg2[%get3A_10, %get3A_11] : memref<128x10000xf32, #tpu.memory_space<vmem>>, vector<128x10000xf32>
    %get3A_13 = arith.constant 0 : index
    %get3A_14 = arith.constant 0 : index
    %get3A_15 = vector.load %arg4[%get3A_13, %get3A_14] : memref<10000x32xf32, #tpu.memory_space<vmem>>, vector<10000x32xf32>
    %dot_general3A_16 = arith.constant dense<0.000000e+00> : vector<128x32xf32>
    %dot_general3A_17 = tpu.matmul %get3A_12, %get3A_15, %dot_general3A_16 {dimension_numbers = #tpu.dot_dimension_numbers<[1], [0], [0], [1], [0, 0, 1, 1], [], []>, transpose_lhs_hint = false} : vector<128x10000xf32>, vector<10000x32xf32>, vector<128x32xf32> -> vector<128x32xf32>
    %get3A_18 = arith.constant 0 : index
    %get3A_19 = arith.constant 0 : index
    %get3A_20 = vector.load %arg6[%get3A_18, %get3A_19] : memref<1x32xf32, #tpu.memory_space<vmem>>, vector<1x32xf32>
    %add3A_21 = vector.broadcast %get3A_20 : vector<1x32xf32> to vector<128x32xf32>
    %add3A_22 = arith.addf %dot_general3A_17, %add3A_21 : vector<128x32xf32>
    %get3A_23 = arith.constant 0 : index
    %get3A_24 = arith.constant 0 : index
    %get3A_25 = vector.load %arg7[%get3A_23, %get3A_24] : memref<1x32xf32, #tpu.memory_space<vmem>>, vector<1x32xf32>
    %mul3A = vector.broadcast %get3A_25 : vector<1x32xf32> to vector<128x32xf32>
    %mul3A_26 = arith.mulf %add3A_9, %mul3A : vector<128x32xf32>
    %reduce_sum3A = arith.constant dense<0.000000e+00> : vector<128xf32>
    %reduce_sum3A_27 = vector.multi_reduction <add>, %mul3A_26, %reduce_sum3A [1] : vector<128x32xf32> to vector<128xf32>
    %broadcast_in_dim3A = vector.shape_cast %reduce_sum3A_27 : vector<128xf32> to vector<128x1xf32>
    %get3A_28 = arith.constant 0 : index
    %get3A_29 = arith.constant 0 : index
    %get3A_30 = vector.load %arg8[%get3A_28, %get3A_29] : memref<1x32xf32, #tpu.memory_space<vmem>>, vector<1x32xf32>
    %mul3A_31 = vector.broadcast %get3A_30 : vector<1x32xf32> to vector<128x32xf32>
    %mul3A_32 = arith.mulf %add3A_22, %mul3A_31 : vector<128x32xf32>
    %reduce_sum3A_33 = arith.constant dense<0.000000e+00> : vector<128xf32>
    %reduce_sum3A_34 = vector.multi_reduction <add>, %mul3A_32, %reduce_sum3A_33 [1] : vector<128x32xf32> to vector<128xf32>
    %broadcast_in_dim3A_35 = vector.shape_cast %reduce_sum3A_34 : vector<128xf32> to vector<128x1xf32>
    %get3A_36 = arith.constant 0 : index
    %get3A_37 = arith.constant 0 : index
    %get3A_38 = vector.load %arg9[%get3A_36, %get3A_37] : memref<1x32xf32, #tpu.memory_space<vmem>>, vector<1x32xf32>
    %mul3A_39 = vector.broadcast %get3A_38 : vector<1x32xf32> to vector<128x32xf32>
    %mul3A_40 = arith.mulf %add3A_9, %mul3A_39 : vector<128x32xf32>
    %reduce_sum3A_41 = arith.constant dense<0.000000e+00> : vector<128xf32>
    %reduce_sum3A_42 = vector.multi_reduction <add>, %mul3A_40, %reduce_sum3A_41 [1] : vector<128x32xf32> to vector<128xf32>
    %broadcast_in_dim3A_43 = vector.shape_cast %reduce_sum3A_42 : vector<128xf32> to vector<128x1xf32>
    %mul3A_44 = arith.mulf %broadcast_in_dim3A, %broadcast_in_dim3A_43 : vector<128x1xf32>
    %get3A_45 = arith.constant 0 : index
    %get3A_46 = arith.constant 0 : index
    %get3A_47 = vector.load %arg9[%get3A_45, %get3A_46] : memref<1x32xf32, #tpu.memory_space<vmem>>, vector<1x32xf32>
    %mul3A_48 = vector.broadcast %get3A_47 : vector<1x32xf32> to vector<128x32xf32>
    %mul3A_49 = arith.mulf %add3A_22, %mul3A_48 : vector<128x32xf32>
    %reduce_sum3A_50 = arith.constant dense<0.000000e+00> : vector<128xf32>
    %reduce_sum3A_51 = vector.multi_reduction <add>, %mul3A_49, %reduce_sum3A_50 [1] : vector<128x32xf32> to vector<128xf32>
    %broadcast_in_dim3A_52 = vector.shape_cast %reduce_sum3A_51 : vector<128xf32> to vector<128x1xf32>
    %mul3A_53 = arith.mulf %broadcast_in_dim3A_35, %broadcast_in_dim3A_52 : vector<128x1xf32>
    %add3A_54 = arith.addf %mul3A_44, %mul3A_53 : vector<128x1xf32>
    %get3A_55 = arith.constant 0 : index
    %get3A_56 = arith.constant 0 : index
    %get3A_57 = vector.load %arg11[%get3A_55, %get3A_56] : memref<1x1xf32, #tpu.memory_space<vmem>>, vector<1x1xf32>
    %add3A_58 = vector.broadcast %get3A_57 : vector<1x1xf32> to vector<128x1xf32>
    %add3A_59 = arith.addf %add3A_54, %add3A_58 : vector<128x1xf32>
    %get3A_60 = arith.constant 0 : index
    %get3A_61 = arith.constant 0 : index
    %get3A_62 = vector.load %arg10[%get3A_60, %get3A_61] : memref<1x32xf32, #tpu.memory_space<vmem>>, vector<1x32xf32>
    %mul3A_63 = vector.broadcast %get3A_62 : vector<1x32xf32> to vector<128x32xf32>
    %mul3A_64 = arith.mulf %add3A_9, %mul3A_63 : vector<128x32xf32>
    %reduce_sum3A_65 = arith.constant dense<0.000000e+00> : vector<128xf32>
    %reduce_sum3A_66 = vector.multi_reduction <add>, %mul3A_64, %reduce_sum3A_65 [1] : vector<128x32xf32> to vector<128xf32>
    %broadcast_in_dim3A_67 = vector.shape_cast %reduce_sum3A_66 : vector<128xf32> to vector<128x1xf32>
    %mul3A_68 = arith.mulf %broadcast_in_dim3A, %broadcast_in_dim3A_67 : vector<128x1xf32>
    %get3A_69 = arith.constant 0 : index
    %get3A_70 = arith.constant 0 : index
    %get3A_71 = vector.load %arg10[%get3A_69, %get3A_70] : memref<1x32xf32, #tpu.memory_space<vmem>>, vector<1x32xf32>
    %mul3A_72 = vector.broadcast %get3A_71 : vector<1x32xf32> to vector<128x32xf32>
    %mul3A_73 = arith.mulf %add3A_22, %mul3A_72 : vector<128x32xf32>
    %reduce_sum3A_74 = arith.constant dense<0.000000e+00> : vector<128xf32>
    %reduce_sum3A_75 = vector.multi_reduction <add>, %mul3A_73, %reduce_sum3A_74 [1] : vector<128x32xf32> to vector<128xf32>
    %broadcast_in_dim3A_76 = vector.shape_cast %reduce_sum3A_75 : vector<128xf32> to vector<128x1xf32>
    %mul3A_77 = arith.mulf %broadcast_in_dim3A_35, %broadcast_in_dim3A_76 : vector<128x1xf32>
    %add3A_78 = arith.addf %mul3A_68, %mul3A_77 : vector<128x1xf32>
    %broadcast_in_dim3A_79 = arith.constant 0.000000e+00 : f32
    %broadcast_in_dim3A_80 = vector.broadcast %broadcast_in_dim3A_79 : f32 to vector<128x6xf32>
    %concatenate3A = tpu.concatenate %add3A_59, %add3A_78, %broadcast_in_dim3A_80 in 1 : vector<128x1xf32>, vector<128x1xf32>, vector<128x6xf32> -> vector<128x8xf32>
    %swap3A = arith.constant 0 : index
    %swap3A_81 = arith.constant 0 : index
    %swap3A_82 = vector.load %arg12[%swap3A, %swap3A_81] : memref<128x8xf32, #tpu.memory_space<vmem>>, vector<128x8xf32>
    tpu.vector_store %arg12[%swap3A, %swap3A_81], %concatenate3A {strides = array<i32>} : memref<128x8xf32, #tpu.memory_space<vmem>>, vector<128x8xf32>,
    return
  }
  func.func @transform_0(%arg0: i32) -> (i32, i32) {
    %c0_i32 = arith.constant 0 : i32
    %c0_i32_0 = arith.constant 0 : i32
    return %arg0, %c0_i32 : i32, i32
  }
  func.func @transform_1(%arg0: i32) -> (i32, i32) {
    %c0_i32 = arith.constant 0 : i32
    %c0_i32_0 = arith.constant 0 : i32
    return %arg0, %c0_i32 : i32, i32
  }
  func.func @transform_2(%arg0: i32) -> (i32, i32) {
    %c0_i32 = arith.constant 0 : i32
    %c0_i32_0 = arith.constant 0 : i32
    %c0_i32_1 = arith.constant 0 : i32
    return %c0_i32, %c0_i32_0 : i32, i32
  }
  func.func @transform_3(%arg0: i32) -> (i32, i32) {
    %c0_i32 = arith.constant 0 : i32
    %c0_i32_0 = arith.constant 0 : i32
    %c0_i32_1 = arith.constant 0 : i32
    return %c0_i32, %c0_i32_0 : i32, i32
  }
  func.func @transform_4(%arg0: i32) -> (i32, i32) {
    %c0_i32 = arith.constant 0 : i32
    %c0_i32_0 = arith.constant 0 : i32
    %c0_i32_1 = arith.constant 0 : i32
    return %c0_i32, %c0_i32_0 : i32, i32
  }
  func.func @transform_5(%arg0: i32) -> (i32, i32) {
    %c0_i32 = arith.constant 0 : i32
    %c0_i32_0 = arith.constant 0 : i32
    %c0_i32_1 = arith.constant 0 : i32
    return %c0_i32, %c0_i32_0 : i32, i32
  }
  func.func @transform_6(%arg0: i32) -> (i32, i32) {
    %c0_i32 = arith.constant 0 : i32
    %c0_i32_0 = arith.constant 0 : i32
    %c0_i32_1 = arith.constant 0 : i32
    return %c0_i32, %c0_i32_0 : i32, i32
  }
  func.func @transform_7(%arg0: i32) -> (i32, i32) {
    %c0_i32 = arith.constant 0 : i32
    %c0_i32_0 = arith.constant 0 : i32
    %c0_i32_1 = arith.constant 0 : i32
    return %c0_i32, %c0_i32_0 : i32, i32
  }
  func.func @transform_8(%arg0: i32) -> (i32, i32) {
    %c0_i32 = arith.constant 0 : i32
    %c0_i32_0 = arith.constant 0 : i32
    %c0_i32_1 = arith.constant 0 : i32
    return %c0_i32, %c0_i32_0 : i32, i32
  }
  func.func @transform_9(%arg0: i32) -> (i32, i32) {
    %c0_i32 = arith.constant 0 : i32
    %c0_i32_0 = arith.constant 0 : i32
    %c0_i32_1 = arith.constant 0 : i32
    return %c0_i32, %c0_i32_0 : i32, i32
  }
  func.func @transform_10(%arg0: i32) -> (i32, i32) {
    %c0_i32 = arith.constant 0 : i32
    %c0_i32_0 = arith.constant 0 : i32
    %c0_i32_1 = arith.constant 0 : i32
    return %c0_i32, %c0_i32_0 : i32, i32
  }
  func.func @transform_11(%arg0: i32) -> (i32, i32) {
    %c0_i32 = arith.constant 0 : i32
    %c0_i32_0 = arith.constant 0 : i32
    return %arg0, %c0_i32 : i32, i32
  }
}

</mosaic_0001>

<sc_bundles>
// kernel: kernel.6.cloned.1.call-start
scs
__scs_entry_jumppad:
0x0: {  	(pc) =	sbr.rel $0x88, $3  }
0x1: {  	(tag) =	ssettag $0x0;
	lr =	simm.s32 $0x1  }
0x2: {  	[smem:$0x3F8F] =	sst lr;
	_ =	strace $0xD0000000  }
0x3: {  	_ = 	snop  }
0x4: {  	_ = 	snop  }
0x5: {  	_ = 	snop  }
0x6: {  	_ = 	snop  }
0x7: {  	_ = 	snop  }
__scs_overlays_trampoline_lowered:
0x8: {  	[smem:$0x3F9E] =	sst s0  }
0x9: {  	[smem:$0x3F9F] =	sst s1  }
0xa: {  	[smem:$0x3FA0] =	sst s2  }
0xb: {  	[smem:$0x3FA1] =	sst s3  }
0xc: {  	[smem:$0x3FA2] =	sst s4  }
0xd: {  	[smem:$0x3FA3] =	sst s5  }
0xe: {  	[smem:$0x3FA4] =	sst s6  }
0xf: {  	[smem:$0x3FA5] =	sst s7  }
0x10: {  	[smem:$0x3FA6] =	sst s8  }
0x11: {  	[smem:$0x3FA7] =	sst s9;
	s0 =	simm.s32 @!p0 $0x0  }
0x12: {  	s1 =	sld [smem:$0x3F8D];
	s0 =	simm.s32 @p0 $0x1  }
0x13: {  	[smem:$0x3FA8] =	sst s0;
	s0 =	simm.s32 @!p1 $0x0  }
0x14: {  	s2 =	sld [smem:$0x3F8C];
	s0 =	simm.s32 @p1 $0x1  }
0x15: {  	[smem:$0x3FA9] =	sst s0;
	s0 =	simm.s32 @!p2 $0x0  }
0x16: {  	s3 =	sld [smem:$0x3FDB];
	s0 =	simm.s32 @p2 $0x1  }
0x17: {  	s4 =	simm.s32 $0x1BF5;
	[smem:$0x3FAB] =	sst s0  }
0x18: {  	s0 =	sld [smem:$0x3F8E];
	_ =	swait.ge [sflag:s4], $0x0  }
0x19: {  	s7 =	sld [smem:$0x3F8F]  }
0x1a: {  	s8 =	sadd.s32 $0xFFFFE003, lr  }
0x1b: {  	s9 =	sadd.s32 $0xFFFFFEF7, lr;
	s5 =	simm.s32 $0xFFFFFFFF;
	p2 =	slt.u32 s8, $0xFFFFF086  }
0x1c: {  	p1 =	slt.u32 s9, $0xF7A;
	s5 =	simm.s32 @!p2 $0x0  }
0x1d: {  	s5 =	simm.s32 @p1 $0x1;
	p0 =	seq.s32 s7, s2  }
0x1e: {  	s7 =	smul.u32 @!p0 $0xF7A, s2;
	p2 =	seq.s32 @!p0 s5, $0x0  }
0x1f: {  	s9 =	smul.u32 $0xF7A, s1;
	s8 =	simm.s32 @!p0 $0x1BF5;
	p2 =	por !p2, p0  }
0x20: {  	[sflag:s8] =	ssyncset.s32 @!p0 $0xFFFFF086;
	s6 =	sadd.s32 @!p0 s3, s7;
	s7 =	simm.s32 @!p0 $0x108  }
0x21: {  	s3 =	sadd.s32 s3, s9;
	s6 =	sadd.s32 @!p0 $0x88, s6;
	s7 =	simm.s32 @p2 $0x1082  }
0x22: {  	[simem:s7], [sflag:s8] =	dma.local @!p0 [hbm:s6], $0xF7A  }
0x23: {  	s9 =	sor.u32 $0xD0000000, s2;
	s6 =	simm.s32 $0x108;
	_ =	swait.ge @!p0 [sflag:s8], $0x0  }
0x24: {  	s3 =	sadd.s32 $0x88, s3;
	s6 =	simm.s32 @!p1 $0x1082;
	[sflag:s4] =	ssyncset.s32 $0xFFFFF086  }
0x25: {  	[simem:s6], [sflag:s4] =	dma.local [hbm:s3], $0xF7A  }
0x26: {  	[smem:$0x3F8F] =	sst s1;
	(tag) =	ssettag s2;
	_ =	strace s9  }
0x27: {  	s1 =	sld [smem:$0x3F9F]  }
0x28: {  	s2 =	sld [smem:$0x3FA0]  }
0x29: {  	s4 =	sld [smem:$0x3FA2]  }
0x2a: {  	p0 =	seq.s32 s5, $0x0;
	s5 =	sld [smem:$0x3FA3]  }
0x2b: {  	s6 =	sld [smem:$0x3FA4]  }
0x2c: {  	s7 =	sld [smem:$0x3FA5]  }
0x2d: {  	s3 =	simm.s32 $0x108;
	s8 =	sld [smem:$0x3FA6]  }
0x2e: {  	s3 =	simm.s32 @!p0 $0x1082;
	s9 =	sld [smem:$0x3FA7]  }
0x2f: {  	lr =	sadd.s32 s0, s3;
	s0 =	sld [smem:$0x3F9E]  }
0x30: {  	s3 =	sld [smem:$0x3FA1]  }
0x31: {  	[smem:$0x3FAA] =	sst s10  }
0x32: {  	s10 =	sld [smem:$0x3FA8];
	_ =	sdelay $0x3  }
0x33: {  	p0 =	seq.s32 s10, $0x1;
	s10 =	sld [smem:$0x3FAA];
	_ =	sdelay $0x3  }
0x34: {  	[smem:$0x3FAA] =	sst s10  }
0x35: {  	s10 =	sld [smem:$0x3FA9];
	_ =	sdelay $0x3  }
0x36: {  	p1 =	seq.s32 s10, $0x1;
	s10 =	sld [smem:$0x3FAA];
	_ =	sdelay $0x3  }
0x37: {  	[smem:$0x3FAA] =	sst s10  }
0x38: {  	s10 =	sld [smem:$0x3FAB]  }
0x39: {  	_ = 	snop;
	(pc) =	sbr.ind lr, $3  }
0x3a: {  	_ = 	snop  }
0x3b: {  	_ = 	snop  }
0x3c: {  	p2 =	seq.s32 s10, $0x1;
	s10 =	sld [smem:$0x3FAA]  }
0x3d: {  	_ =	shalt  }
0x3e: {  	_ =	shalt  }
0x3f: {  	_ =	shalt  }
0x40: {  	_ =	shalt  }
0x41: {  	_ =	shalt  }
0x42: {  	_ =	shalt  }
0x43: {  	_ =	shalt  }
0x44: {  	_ =	shalt  }
0x45: {  	_ =	shalt  }
0x46: {  	_ =	shalt  }
0x47: {  	_ =	shalt  }
0x48: {  	_ =	shalt  }
0x49: {  	_ =	shalt  }
0x4a: {  	_ =	shalt  }
0x4b: {  	_ =	shalt  }
0x4c: {  	_ =	shalt  }
0x4d: {  	_ =	shalt  }
0x4e: {  	_ =	shalt  }
0x4f: {  	_ =	shalt  }
0x50: {  	_ =	shalt  }
0x51: {  	_ =	shalt  }
0x52: {  	_ =	shalt  }
0x53: {  	_ =	shalt  }
0x54: {  	_ =	shalt  }
0x55: {  	_ =	shalt  }
0x56: {  	_ =	shalt  }
0x57: {  	_ =	shalt  }
0x58: {  	_ =	shalt  }
0x59: {  	_ =	shalt  }
0x5a: {  	_ =	shalt  }
0x5b: {  	_ =	shalt  }
0x5c: {  	_ =	shalt  }
0x5d: {  	_ =	shalt  }
0x5e: {  	_ =	shalt  }
0x5f: {  	_ =	shalt  }
0x60: {  	_ =	shalt  }
0x61: {  	_ =	shalt  }
0x62: {  	_ =	shalt  }
0x63: {  	_ =	shalt  }
0x64: {  	_ =	shalt  }
0x65: {  	_ =	shalt  }
0x66: {  	_ =	shalt  }
0x67: {  	_ =	shalt  }
0x68: {  	_ =	shalt  }
0x69: {  	_ =	shalt  }
0x6a: {  	_ =	shalt  }
0x6b: {  	_ =	shalt  }
0x6c: {  	_ =	shalt  }
0x6d: {  	_ =	shalt  }
0x6e: {  	_ =	shalt  }
0x6f: {  	_ =	shalt  }
0x70: {  	_ =	shalt  }
0x71: {  	_ =	shalt  }
0x72: {  	_ =	shalt  }
0x73: {  	_ =	shalt  }
0x74: {  	_ =	shalt  }
0x75: {  	_ =	shalt  }
0x76: {  	_ =	shalt  }
0x77: {  	_ =	shalt  }
0x78: {  	_ =	shalt  }
0x79: {  	_ =	shalt  }
0x7a: {  	_ =	shalt  }
0x7b: {  	_ =	shalt  }
0x7c: {  	_ =	shalt  }
0x7d: {  	_ =	shalt  }
0x7e: {  	_ =	shalt  }
0x7f: {  	_ =	shalt  }
0x80: {  	_ =	shalt  }
0x81: {  	_ =	shalt  }
0x82: {  	_ =	shalt  }
0x83: {  	_ =	shalt  }
0x84: {  	_ =	shalt  }
0x85: {  	_ =	shalt  }
0x86: {  	_ =	shalt  }
0x87: {  	_ =	shalt  }
.Lfunc_end0:
.L_simem_size_0:
called_computation_lowered:
.L_overlay_start_0:
0x88: {  	s2 =	sld [smem:$0x3FD9]  }
0x89: {  	s3 =	sld [smem:$0x3FFE];
	_ =	sdelay $0x1  }
0x8a: {  	s1 =	srdreg.scid  }
0x8b: {  	s0 =	sand.u32 $0x1, s1  }
0x8c: {  	s17 =	sshll.u32 s0, $0xA;
	s2 =	sadd.s32 s3, s2  }
0x8d: {  	s2 =	sadd.s32 s2, s17  }
0x8e: {  	[smem:$0x3FB6] =	sst s2  }
0x8f: {  	_ = 	snop  }
0x90: {  	s2 =	sld [smem:$0x3FD0];
	(tm) =	ssettm $0x1  }
0x91: {  	s18 =	sld [smem:$0x3FFB];
	_ =	sdelay $0x3  }
0x92: {  	_ =	strace s18  }
0x93: {  	s3 =	sld [smem:$0x3FFC];
	_ =	sdelay $0x3  }
0x94: {  	_ =	strace s3  }
0x95: {  	s3 =	sld [smem:$0x3FFD];
	_ =	sdelay $0x3  }
0x96: {  	_ =	strace s3  }
0x97: {  	_ =	strace $0x8FFFFFFF  }
0x98: {  	s19 =	sld [smem:$0x3FDB];
	_ =	sdelay $0x1  }
0x99: {  	s4 =	simm.s32 $_scs_section_size  }
0x9a: {  	s5 =	simm.s32 $_size__tile_overlayer_lowered;
	s6 =	simm.s32 $_tile_overlayer_lowered  }
0x9b: {  	s22 =	simm.s32 $0x1BFF;
	s21 =	sshll.u32 s6, $0x1;
	s3 =	sadd.s32 s4, s19  }
0x9c: {  	s7 =	simm.s32 $0x0;
	s20 =	sshll.u32 s5, $0x1;
	s5 =	sadd.s32 s21, s3  }
0x9d: {  	[timem:s7], [sflag:s22] =	dma.local [hbm:s5], s20  }
0x9e: {  	_ =	swait.ge [sflag:s22], s20  }
0x9f: {  	s4 =	ssub.s32 $0x0, s20;
	[sflag:s22] =	ssyncset.done $0x0  }
0xa0: {  	[sflag:s22] =	ssyncadd.s32 s4;
	_ =	sdelay $0x1  }
0xa1: {  	s23 =	simm.s32 $0x1B8B  }
0xa2: {  	_ =	swait.ge [sflag:s23], $0x1  }
0xa3: {  	[sflag:s23] =	ssyncset.done $0x0  }
0xa4: {  	s25 =	simm.s32 $0x1B8E;
	s24 =	sld [smem:$0x3FFE];
	[sflag:s23] =	ssyncadd.s32 $0xFFFFFFFF  }
0xa5: {  	s26 =	simm.s32 $execute0_lowered;
	[smem:$0x3FD2] =	sst s25  }
0xa6: {  	s5 =	sshll.u32 s26, $0x1;
	_ =	strace $0x80000046;
	[dreg:$0x1] =	wrdreg $0xFFFFFFFF  }
0xa7: {  	s28 =	simm.s32 $_size_execute0_lowered;
	s3 =	sadd.s32 s3, s5;
	[dreg:$0x0] =	wrdreg $0x0  }
0xa8: {  	s5 =	sshll.u32 s28, $0x1;
	[dreg:$0x2] =	wrdreg s3  }
0xa9: {  	[dreg:$0x3] =	wrdreg s5  }
0xaa: {  	[dreg:$0x4] =	wrdreg $0xC0  }
0xab: {  	_ =	task [dreg:s7], $0x5FFFF  }
0xac: {  	[dreg:$0x1] =	wrdreg $0xFFFFFFFF  }
0xad: {  	[dreg:$0x0] =	wrdreg $0x60  }
0xae: {  	[dreg:$0x2] =	wrdreg s24  }
0xaf: {  	[dreg:$0x3] =	wrdreg s2  }
0xb0: {  	[dreg:$0x4] =	wrdreg $0x9  }
0xb1: {  	_ =	task.clear_ibuf [dreg:s7], $0x5FFFF;
	_ =	strace $0x90000046  }
0xb2: {  	s29 =	simm.s32 $0x9;
	_ =	strace $0x80000048  }
0xb3: {  	_ =	swait.ge [sflag:s29], $0x1  }
0xb4: {  	[sflag:s29] =	ssyncadd.s32 $0xFFFFFFFF  }
0xb5: {  	_ =	strace $0x90000048  }
0xb6: {  	_ =	sfence  }
0xb7: {  	s30 =	sld [smem:$0x0];
	_ =	sdelay $0x2  }
0xb8: {  	s31 =	sshll.u32 s1, $0xD;
	s1 =	sshrl.u32 s1, $0x2  }
0xb9: {  	s3 =	sand.u32 $0x4000, s31;
	s1 =	sadd.s32 s1, s30  }
0xba: {  	s0 =	sor.u32 s3, s0;
	s1 =	sshll.u32 s1, $0x11  }
0xbb: {  	s0 =	sor.u32 s1, s0  }
0xbc: {  	s0 =	sadd.s32 $0x8F2B, s0  }
0xbd: {  	[sflag:s0] =	ssyncadd.remote.s32 $0x1  }
0xbe: {  	_ =	sfence.sel $0xFFFF  }
0xbf: {  	[dreg:$0x0] =	wrdreg $0xFFFFFFFF;
	(pc) =	sbr.abs _section_cstart, $3  }
0xc0: {  	[dreg:$0x1] =	wrdreg $0xFFFFFFFF  }
0xc1: {  	_ =	task.clear_ibuf [dreg:s7], $0x2FFFF;
	_ =	strace $0x9FFFFFFF  }
0xc2: {  	(tm) =	ssettm $0x7FFFFFFF  }
0xc3: {  	_ =	shalt  }
tec
execute0_lowered:
.L_overlay_start_1:
0x0: {  	(tag) =	ssettag $0x1  }
0x1: {  	s1 =	srdreg.scid  }
0x2: {  	s0 =	stileid.u32;
	s4 =	rddreg [dreg:$0x0]  }
0x3: {  	s2 =	rddreg [dreg:$0x1];
	s3 =	simm.s32 $0x0;
	s9 =	simm.s32 $0x1  }
0x4: {  	s10 =	simm.s32 $0x2780;
	s11 =	simm.s32 $0x4F00;
	s12 =	simm.s32 $0x6300  }
0x5: {  	s13 =	simm.s32 $0x7700;
	s5 =	sand.u32 $0x1, s1;
	s30 =	sshll.u32 s0, $0x1  }
0x6: {  	s14 =	simm.s32 $0x0;
	s6 =	sor.u32 s5, s30;
	s5 =	ssub.s32 $0x2, s5  }
0x7: {  	[smem:$0x7FF] =	sst s3;
	s6 =	smul.u32 $0x271, s6;
	s31 =	sshrl.u32 s5, $0x1  }
0x8: {  	s1 =	rddreg [dreg:$0x2];
	_ =	strace $0x80000047;
	s8 =	ssub.s32 s5, s31  }
0x9: {  	s7 =	sadd.s32 s6, s4;
	s4 =	sadd.s32 $0xA00, s4;
	s8 =	smax.u32 s8, $0x1  }
0xa: {  	v0 =	vimm.s32 $0x0;
	s5 =	sadd.s32 $0x6000, s7;
	s6 =	sadd.s32 $0x1000, s7;
	s7 =	sadd.s32 $0xB000, s7  }
.LBB2_1:
0xb: {  	[tilespmem:s3], [sflag:$0x1] =	stream.linear.gather [hbm4b:s4+s3], $0x2780, $0x38;
	[tilespmem:$0x8B00] =	vst v63  }
0xc: {  	_ =	swait.ge [sflag:s9], $0x2780  }
0xd: {  	[sflag:s9] =	ssyncset.done $0x0  }
0xe: {  	[sflag:s9] =	ssyncadd.s32 $0xFFFFD880  }
0xf: {  	[tilespmem:s10], [sflag:$0x1] =	stream.linear.gather [hbm4b:s2+s3], $0x2780, $0x38;
	[tilespmem:$0x8B00] =	vst v63  }
0x10: {  	_ =	swait.ge [sflag:s9], $0x2780  }
0x11: {  	[sflag:s9] =	ssyncset.done $0x0  }
0x12: {  	[sflag:s9] =	ssyncadd.s32 $0xFFFFD880  }
0x13: {  	[tilespmem:$0x6280] =	vst v0  }
0x14: {  	[tilespmem:$0x7680] =	vst v0  }
0x15: {  	[tilespmem:s11], [sflag:$0x1] =	stream.linear.gather [hbm4b:s5+s3], $0x1388, $0x38;
	[tilespmem:$0x8B00] =	vst v63  }
0x16: {  	_ =	swait.ge [sflag:s9], $0x1388  }
0x17: {  	[sflag:s9] =	ssyncset.done $0x0  }
0x18: {  	[sflag:s9] =	ssyncadd.s32 $0xFFFFEC78  }
0x19: {  	[tilespmem:s12], [sflag:$0x1] =	stream.linear.gather [hbm4b:s6+s3], $0x1388, $0x38;
	[tilespmem:$0x8B00] =	vst v63  }
0x1a: {  	_ =	swait.ge [sflag:s9], $0x1388  }
0x1b: {  	[sflag:s9] =	ssyncset.done $0x0  }
0x1c: {  	s15 =	simm.s32 $0x0;
	[sflag:s9] =	ssyncadd.s32 $0xFFFFEC78  }
0x1d: {  	v1 =	vld [tilespmem:s15+$0x6300]  }
0x1e: {  	v2 =	vld [tilespmem:s15+$0x4F00];
	_ =	sdelay $0x6  }
0x1f: {  	v1 =	vld.idx.msk [tilespmem:v1+s10+$0x0], $0xffff  }
0x20: {  	s16 =	simm.s32 $0x10;
	v3 =	vld.idx.msk [tilespmem:v2+s3+$0x0], $0xffff  }
0x21: {  	s17 =	simm.s32 $0x80;
	v2 =	vld [tilespmem:s16+$0x6300]  }
.LBB2_2:
0x22: {  	p0 =	sne.s32 s17, $0x4E00;
	v4 =	vld [tilespmem:s16+$0x4F00];
	_ =	sdelay $0x3  }
0x23: {  	v1 =	vadd.f32 v1, v3  }
.Ltmp0:
0x24: {  	(pc) =	sbr.rel @p0 .LBB2_2-.Ltmp0, $4  }
0x25: {  	[tilespmem:s15+$0x7700] =	vst v1;
	s15 =	smov.u32 s16  }
0x26: {  	v1 =	vld.idx.msk [tilespmem:v2+s10+$0x0], $0xffff  }
0x27: {  	s16 =	sshra.s32 s17, $0x2;
	v3 =	vld.idx.msk [tilespmem:v4+s3+$0x0], $0xffff  }
0x28: {  	s17 =	sadd.s32 $0x40, s17;
	v2 =	vld [tilespmem:s16+$0x6300]  }
0x29: {  	_ = 	snop  }
0x2a: {  	v4 =	vld [tilespmem:s16+$0x4F00];
	_ =	sdelay $0x3  }
0x2b: {  	v1 =	vadd.f32 v1, v3;
	_ =	sdelay $0x1  }
0x2c: {  	[tilespmem:s15+$0x7700] =	vst v1  }
0x2d: {  	v1 =	vld.idx.msk [tilespmem:v2+s10+$0x0], $0xffff  }
0x2e: {  	v2 =	vld.idx.msk [tilespmem:v4+s3+$0x0], $0xffff;
	_ =	sdelay $0x4  }
0x2f: {  	s14 =	sadd.s32 $0x1, s14;
	v1 =	vadd.f32 v1, v2  }
0x30: {  	p0 =	sne.s32 s14, s8  }
.Ltmp1:
0x31: {  	[tilespmem:s16+$0x7700] =	vst v1;
	(pc) =	sbr.rel @p0 .LBB2_1-.Ltmp1, $4  }
0x32: {  	[hbm4b:s7+s3] =	stream.linear.scatter [tilespmem:s13], [sflag:$0x1], $0x1388, $0x38;
	[tilespmem:$0x8B00] =	vst v63  }
0x33: {  	_ =	swait.ge [sflag:s9], $0x1388  }
0x34: {  	[sflag:s9] =	ssyncset.done $0x0  }
0x35: {  	[sflag:s9] =	ssyncadd.s32 $0xFFFFEC78  }
0x36: {  	_ =	sfence.sel $0x180000  }
0x37: {  	[bflag:$0x0] =	sbarrier.arrive $0xFFFF  }
0x38: {  	p0 =	sne.s32 s0, $0x0;
	_ =	strace $0x90000047  }
0x39: {  	s0 =	sadd.s32 @!p0 $0x100000, s1;
	[bflag:$0x2] =	sbarrier.arrive $0xFFFF  }
0x3a: {  	[sflag:s0] =	ssyncadd.tile.s32 @!p0 $0x1;
	_ =	shalt  }
.Lfunc_end2:
_tile_overlayer_lowered:
.L_overlay_start_2:
0x3b: {  	(tag) =	ssettag $0x2  }
0x3c: {  	s0 =	rddreg [dreg:$0x0];
	s2 =	stileid.u32  }
0x3d: {  	s1 =	rddreg [dreg:$0x1];
	p0 =	sne.s32 s2, $0x0  }
0x3e: {  	s3 =	rddreg [dreg:$0x2];
	[bflag:$0x3] =	sbarrier.arrive $0xFFFF;
	s2 =	simm.s32 @!p0 $0x1C01  }
0x3f: {  	[timem:s3], [sflag:s2] =	dma.local @!p0 [hbm:s0], s1  }
0x40: {  	s0 =	simm.s32 @!p0 $0x1  }
0x41: {  	_ =	swait.ge @!p0 [sflag:s0], s1  }
0x42: {  	s1 =	ssub.s32 @!p0 $0x0, s1;
	[sflag:s0] =	ssyncset.done @!p0 $0x0  }
0x43: {  	[sflag:s0] =	ssyncadd.s32 @!p0 s1  }
0x44: {  	[bflag:$0x3] =	sbarrier.arrive $0xFFFF  }
0x45: {  	_ =	shalt  }

</sc_bundles>
